<compile_context>
chip_gen: v7x
topology: tpu7x:2x2x1
jax: 0.10.2.dev20260603
libtpu: 0.0.44.dev20260713+nightly
codegen_flags: <defaults>
</compile_context>

<pallas_src>
import functools
import jax
import jax.numpy as jnp
from jax import lax
from jax.experimental import pallas as pl
from jax.experimental.pallas import tpu as pltpu
from jax.experimental.pallas import tpu_sc as plsc

_BLK = 4096
_L = 16


def _sc_select(p0, p1, p2, idx):
    info = plsc.get_sparse_core_info()
    nw = info.num_cores * info.num_subcores
    b = idx.shape[0]
    bpw = b // nw

    mesh = plsc.VectorSubcoreMesh(core_axis_name="c", subcore_axis_name="s")

    @functools.partial(
        pl.kernel,
        mesh=mesh,
        out_type=jax.ShapeDtypeStruct((b,), jnp.float32),
        scratch_types=[
            pltpu.VMEM((bpw,), jnp.float32),
            pltpu.VMEM((bpw,), jnp.float32),
            pltpu.VMEM((bpw,), jnp.float32),
            pltpu.VMEM((bpw,), jnp.int32),
            pltpu.VMEM((bpw,), jnp.float32),
        ],
        compiler_params=pltpu.CompilerParams(needs_layout_passes=False),
    )
    def k(p0_hbm, p1_hbm, p2_hbm, idx_hbm, out_hbm,
          p0_v, p1_v, p2_v, idx_v, out_v):
        wid = lax.axis_index("s") * info.num_cores + lax.axis_index("c")
        base = wid * bpw
        pltpu.sync_copy(p0_hbm.at[pl.ds(base, bpw)], p0_v)
        pltpu.sync_copy(p1_hbm.at[pl.ds(base, bpw)], p1_v)
        pltpu.sync_copy(p2_hbm.at[pl.ds(base, bpw)], p2_v)
        pltpu.sync_copy(idx_hbm.at[pl.ds(base, bpw)], idx_v)

        @pl.loop(0, bpw // _L)
        def _(j):
            s = pl.ds(j * _L, _L)
            iv = idx_v[s]
            out_v[s] = jnp.where(iv == 0, p0_v[s],
                                 jnp.where(iv == 1, p1_v[s], p2_v[s]))

        pltpu.sync_copy(out_v, out_hbm.at[pl.ds(base, bpw)])

    return k(p0, p1, p2, idx)


def _tc_body(x_ref, w1_ref, w2_ref, wall_ref, out0_ref, out1_ref, out2_ref):
    b1 = wall_ref[153:154, :]
    b2 = wall_ref[154:155, :32]
    f = jnp.maximum(x_ref[...] @ w1_ref[...] + b1, 0.0)
    f = jnp.maximum(f @ w2_ref[...] + b2, 0.0)
    outs = (out0_ref, out1_ref, out2_ref)
    for i in range(3):
        w3a = wall_ref[i * 48:i * 48 + 32, :]
        w3b = wall_ref[i * 48 + 32:i * 48 + 48, :]
        embr = wall_ref[144 + i:145 + i, :16]
        b3r = wall_ref[147 + i:148 + i, :]
        w4r = wall_ref[150 + i:151 + i, :]
        b4s = wall_ref[155:156, i:i + 1]
        t = embr @ w3b + b3r
        h = jnp.maximum(f @ w3a + t, 0.0)
        row = lax.dot_general(w4r, h, (((1,), (1,)), ((), ()))) + b4s
        outs[i][...] = row.reshape(-1)


def _tc_call(x, w1, w2, wall):
    bsz = x.shape[0]
    full = lambda i: (0, 0)
    return pl.pallas_call(
        _tc_body,
        grid=(bsz // _BLK,),
        in_specs=[
            pl.BlockSpec((_BLK, 128), lambda i: (i, 0)),
            pl.BlockSpec((128, 64), full),
            pl.BlockSpec((64, 32), full),
            pl.BlockSpec((160, 64), full),
        ],
        out_specs=[pl.BlockSpec((_BLK,), lambda i: (i,))] * 3,
        out_shape=[jax.ShapeDtypeStruct((bsz,), jnp.float32)] * 3,
        compiler_params=pltpu.CompilerParams(
            dimension_semantics=("arbitrary",)),
    )(x, w1, w2, wall)


def kernel(x, regime_ids, W1, b1, W2, b2, emb, W3, b3, W4, b4):
    idx = regime_ids.astype(jnp.int32)
    wall = jnp.zeros((160, 64), jnp.float32)
    wall = wall.at[:144].set(W3.reshape(144, 64))
    wall = wall.at[144:147, :16].set(emb)
    wall = wall.at[147:150].set(b3)
    wall = wall.at[150:153].set(W4[:, :, 0])
    wall = wall.at[153].set(b1)
    wall = wall.at[154, :32].set(b2)
    wall = wall.at[155, :3].set(b4[:, 0])
    p0, p1, p2 = _tc_call(x, W1, W2, wall)
    return _sc_select(p0, p1, p2, idx).reshape(-1, 1)

# --- scband reference (transcript-rebuilt; emitter-appended) ---
"""Pipeline reference for scband-regime-aware-student-62989990363249 (READ-ONLY COPY).

The authoritative reference and input builder live on the scoring server;
editing this copy changes nothing except your own understanding.
"""

import jax, jax.numpy as jnp
import numpy as np

B = 16384
D = 128
H = 64
R = 3


def setup_inputs(seed: int = 0) -> dict:
    key = jax.random.key(seed)
    ks = jax.random.split(key, 8)
    x = jax.random.normal(ks[0], (B, D), dtype=jnp.float32)
    regime_ids = jax.random.randint(ks[1], (B,), 0, R, dtype=jnp.int64) if jax.config.jax_enable_x64 else jax.random.randint(ks[1], (B,), 0, R)
    W1 = jax.random.normal(ks[2], (D, H), dtype=jnp.float32) * 0.05
    b1 = jnp.zeros((H,), dtype=jnp.float32)
    W2 = jax.random.normal(ks[3], (H, H // 2), dtype=jnp.float32) * 0.05
    b2 = jnp.zeros((H // 2,), dtype=jnp.float32)
    emb = jax.random.normal(ks[4], (R, H // 4), dtype=jnp.float32) * 0.1
    C = H // 2 + H // 4
    W3 = jax.random.normal(ks[5], (R, C, H), dtype=jnp.float32) * 0.05
    b3 = jnp.zeros((R, H), dtype=jnp.float32)
    W4 = jax.random.normal(ks[6], (R, H, 1), dtype=jnp.float32) * 0.05
    b4 = jnp.zeros((R, 1), dtype=jnp.float32)
    return {"x": x, "regime_ids": regime_ids, "W1": W1, "b1": b1, "W2": W2,
            "b2": b2, "emb": emb, "W3": W3, "b3": b3, "W4": W4, "b4": b4}


def reference(x, regime_ids, W1, b1, W2, b2, emb, W3, b3, W4, b4):
    # shared feature extractor (eval mode: dropout = identity)
    f = jax.nn.relu(x @ W1 + b1)
    f = jax.nn.relu(f @ W2 + b2)
    # regime embedding lookup (gather)
    e = jnp.take(emb, regime_ids, axis=0)
    comb = jnp.concatenate([f, e], axis=1)
    # per-regime expert heads; masked select equivalent to torch masked scatter
    final = jnp.zeros((x.shape[0], 1), dtype=x.dtype)
    for i in range(R):
        h = jax.nn.relu(comb @ W3[i] + b3[i])
        pred = h @ W4[i] + b4[i]
        final = jnp.where(regime_ids[:, None] == i, pred, final)
    return final

if __name__ == "__main__":
    import jax
    _d = setup_inputs()
    print(jax.jit(kernel)(*tuple(_d.values())))

</pallas_src>

<mosaic_0001>
#map = affine_map<(d0, d1) -> (0)>
module attributes {stable_mosaic.version = 14 : i64} {
  func.func @k(%arg0: i32, %arg1: i32, %arg2: memref<16384xf32, #tpu.memory_space<hbm>>, %arg3: memref<16384xf32, #tpu.memory_space<hbm>>, %arg4: memref<16384xf32, #tpu.memory_space<hbm>>, %arg5: memref<16384xi32, #tpu.memory_space<hbm>>, %arg6: memref<16384xf32, #tpu.memory_space<hbm>>, %arg7: memref<512xf32, #tpu.memory_space<vmem>>, %arg8: memref<512xf32, #tpu.memory_space<vmem>>, %arg9: memref<512xf32, #tpu.memory_space<vmem>>, %arg10: memref<512xi32, #tpu.memory_space<vmem>>, %arg11: memref<512xf32, #tpu.memory_space<vmem>>) attributes {dimension_semantics = [#tpu.dimension_semantics<core_parallel>, #tpu.dimension_semantics<subcore_parallel>], iteration_bounds = array<i64: 2, 16>, scalar_prefetch = 0 : i64, scratch_operands = 5 : i64, tpu.core_type = #tpu.core_type<sc_vector_subcore>, window_params = [{transform_indices = #map}, {transform_indices = #map}, {transform_indices = #map}, {transform_indices = #map}, {transform_indices = #map}]} {
    %mul3A = arith.constant 2 : i32
    %mul3A_0 = arith.muli %arg1, %mul3A : i32
    %add3A = arith.addi %mul3A_0, %arg0 : i32
    %mul3A_1 = arith.constant 512 : i32
    %mul3A_2 = arith.muli %add3A, %mul3A_1 : i32
    "tpu.region"() ({
      %run_scoped3A = tpu.sem_alloc : memref<!tpu.dma_semaphore, #tpu.memory_space<semaphore_mem>>
      %dma_start3A = tpu.memref_slice %arg2[%mul3A_2] : memref<16384xf32, #tpu.memory_space<hbm>> -> memref<512xf32, #tpu.memory_space<hbm>>
      %dma_start3A_7 = tpu.memref_slice %arg2[%mul3A_2] : memref<16384xf32, #tpu.memory_space<hbm>> -> memref<512xf32, #tpu.memory_space<hbm>>
      tpu.enqueue_dma source(%dma_start3A_7 : memref<512xf32, #tpu.memory_space<hbm>>) target(%arg7 : memref<512xf32, #tpu.memory_space<vmem>>) target_semaphore(%run_scoped3A : memref<!tpu.dma_semaphore, #tpu.memory_space<semaphore_mem>>)
      %dma_wait3A = tpu.memref_slice %arg2[%mul3A_2] : memref<16384xf32, #tpu.memory_space<hbm>> -> memref<512xf32, #tpu.memory_space<hbm>>
      %dma_wait3A_8 = tpu.memref_slice %arg2[%mul3A_2] : memref<16384xf32, #tpu.memory_space<hbm>> -> memref<512xf32, #tpu.memory_space<hbm>>
      tpu.wait_dma2 semaphore(%run_scoped3A : memref<!tpu.dma_semaphore, #tpu.memory_space<semaphore_mem>>) src(%dma_wait3A_8 : memref<512xf32, #tpu.memory_space<hbm>>) dst(%arg7 : memref<512xf32, #tpu.memory_space<vmem>>)
      tpu.yield
    }) : () -> ()
    "tpu.region"() ({
      %run_scoped3A = tpu.sem_alloc : memref<!tpu.dma_semaphore, #tpu.memory_space<semaphore_mem>>
      %dma_start3A = tpu.memref_slice %arg3[%mul3A_2] : memref<16384xf32, #tpu.memory_space<hbm>> -> memref<512xf32, #tpu.memory_space<hbm>>
      %dma_start3A_7 = tpu.memref_slice %arg3[%mul3A_2] : memref<16384xf32, #tpu.memory_space<hbm>> -> memref<512xf32, #tpu.memory_space<hbm>>
      tpu.enqueue_dma source(%dma_start3A_7 : memref<512xf32, #tpu.memory_space<hbm>>) target(%arg8 : memref<512xf32, #tpu.memory_space<vmem>>) target_semaphore(%run_scoped3A : memref<!tpu.dma_semaphore, #tpu.memory_space<semaphore_mem>>)
      %dma_wait3A = tpu.memref_slice %arg3[%mul3A_2] : memref<16384xf32, #tpu.memory_space<hbm>> -> memref<512xf32, #tpu.memory_space<hbm>>
      %dma_wait3A_8 = tpu.memref_slice %arg3[%mul3A_2] : memref<16384xf32, #tpu.memory_space<hbm>> -> memref<512xf32, #tpu.memory_space<hbm>>
      tpu.wait_dma2 semaphore(%run_scoped3A : memref<!tpu.dma_semaphore, #tpu.memory_space<semaphore_mem>>) src(%dma_wait3A_8 : memref<512xf32, #tpu.memory_space<hbm>>) dst(%arg8 : memref<512xf32, #tpu.memory_space<vmem>>)
      tpu.yield
    }) : () -> ()
    "tpu.region"() ({
      %run_scoped3A = tpu.sem_alloc : memref<!tpu.dma_semaphore, #tpu.memory_space<semaphore_mem>>
      %dma_start3A = tpu.memref_slice %arg4[%mul3A_2] : memref<16384xf32, #tpu.memory_space<hbm>> -> memref<512xf32, #tpu.memory_space<hbm>>
      %dma_start3A_7 = tpu.memref_slice %arg4[%mul3A_2] : memref<16384xf32, #tpu.memory_space<hbm>> -> memref<512xf32, #tpu.memory_space<hbm>>
      tpu.enqueue_dma source(%dma_start3A_7 : memref<512xf32, #tpu.memory_space<hbm>>) target(%arg9 : memref<512xf32, #tpu.memory_space<vmem>>) target_semaphore(%run_scoped3A : memref<!tpu.dma_semaphore, #tpu.memory_space<semaphore_mem>>)
      %dma_wait3A = tpu.memref_slice %arg4[%mul3A_2] : memref<16384xf32, #tpu.memory_space<hbm>> -> memref<512xf32, #tpu.memory_space<hbm>>
      %dma_wait3A_8 = tpu.memref_slice %arg4[%mul3A_2] : memref<16384xf32, #tpu.memory_space<hbm>> -> memref<512xf32, #tpu.memory_space<hbm>>
      tpu.wait_dma2 semaphore(%run_scoped3A : memref<!tpu.dma_semaphore, #tpu.memory_space<semaphore_mem>>) src(%dma_wait3A_8 : memref<512xf32, #tpu.memory_space<hbm>>) dst(%arg9 : memref<512xf32, #tpu.memory_space<vmem>>)
      tpu.yield
    }) : () -> ()
    "tpu.region"() ({
      %run_scoped3A = tpu.sem_alloc : memref<!tpu.dma_semaphore, #tpu.memory_space<semaphore_mem>>
      %dma_start3A = tpu.memref_slice %arg5[%mul3A_2] : memref<16384xi32, #tpu.memory_space<hbm>> -> memref<512xi32, #tpu.memory_space<hbm>>
      %dma_start3A_7 = tpu.memref_slice %arg5[%mul3A_2] : memref<16384xi32, #tpu.memory_space<hbm>> -> memref<512xi32, #tpu.memory_space<hbm>>
      tpu.enqueue_dma source(%dma_start3A_7 : memref<512xi32, #tpu.memory_space<hbm>>) target(%arg10 : memref<512xi32, #tpu.memory_space<vmem>>) target_semaphore(%run_scoped3A : memref<!tpu.dma_semaphore, #tpu.memory_space<semaphore_mem>>)
      %dma_wait3A = tpu.memref_slice %arg5[%mul3A_2] : memref<16384xi32, #tpu.memory_space<hbm>> -> memref<512xi32, #tpu.memory_space<hbm>>
      %dma_wait3A_8 = tpu.memref_slice %arg5[%mul3A_2] : memref<16384xi32, #tpu.memory_space<hbm>> -> memref<512xi32, #tpu.memory_space<hbm>>
      tpu.wait_dma2 semaphore(%run_scoped3A : memref<!tpu.dma_semaphore, #tpu.memory_space<semaphore_mem>>) src(%dma_wait3A_8 : memref<512xi32, #tpu.memory_space<hbm>>) dst(%arg10 : memref<512xi32, #tpu.memory_space<vmem>>)
      tpu.yield
    }) : () -> ()
    %scan3A = arith.constant 0 : i32
    %scan3A_3 = arith.constant 32 : i32
    %scan3A_4 = arith.addi %scan3A, %scan3A_3 : i32
    %scan3A_5 = arith.constant 1 : i32
    scf.for %scan3A_7 = %scan3A to %scan3A_4 step %scan3A_5  : i32 {
      %mul3A_8 = arith.constant 1 : i32
      %mul3A_9 = arith.muli %scan3A_7, %mul3A_8 : i32
      %add3A_10 = arith.constant 0 : i32
      %add3A_11 = arith.addi %add3A_10, %mul3A_9 : i32
      %mul3A_12 = arith.constant 16 : i32
      %mul3A_13 = arith.muli %add3A_11, %mul3A_12 : i32
      %get3A = arith.index_cast %mul3A_13 : i32 to index
      %get3A_14 = tpu.vector_load %arg10[%get3A] {strides = array<i32>} : memref<512xi32, #tpu.memory_space<vmem>>, vector<16xi32>,
      %eq3A = arith.constant 0 : i32
      %eq3A_15 = vector.broadcast %eq3A : i32 to vector<16xi32>
      %eq3A_16 = arith.cmpi eq, %get3A_14, %eq3A_15 : vector<16xi32>
      %get3A_17 = arith.index_cast %mul3A_13 : i32 to index
      %get3A_18 = tpu.vector_load %arg7[%get3A_17] {strides = array<i32>} : memref<512xf32, #tpu.memory_space<vmem>>, vector<16xf32>,
      %eq3A_19 = arith.constant 1 : i32
      %eq3A_20 = vector.broadcast %eq3A_19 : i32 to vector<16xi32>
      %eq3A_21 = arith.cmpi eq, %get3A_14, %eq3A_20 : vector<16xi32>
      %get3A_22 = arith.index_cast %mul3A_13 : i32 to index
      %get3A_23 = tpu.vector_load %arg8[%get3A_22] {strides = array<i32>} : memref<512xf32, #tpu.memory_space<vmem>>, vector<16xf32>,
      %get3A_24 = arith.index_cast %mul3A_13 : i32 to index
      %get3A_25 = tpu.vector_load %arg9[%get3A_24] {strides = array<i32>} : memref<512xf32, #tpu.memory_space<vmem>>, vector<16xf32>,
      %select_n3A = arith.select %eq3A_21, %get3A_23, %get3A_25 : vector<16xi1>, vector<16xf32>
      %select_n3A_26 = arith.select %eq3A_16, %get3A_18, %select_n3A : vector<16xi1>, vector<16xf32>
      %swap3A = arith.index_cast %mul3A_13 : i32 to index
      %swap3A_27 = tpu.vector_load %arg11[%swap3A] {strides = array<i32>} : memref<512xf32, #tpu.memory_space<vmem>>, vector<16xf32>,
      tpu.vector_store %arg11[%swap3A], %select_n3A_26 {strides = array<i32>} : memref<512xf32, #tpu.memory_space<vmem>>, vector<16xf32>,
    }
    %scan3A_6 = arith.constant 32 : i32
    "tpu.region"() ({
      %run_scoped3A = tpu.sem_alloc : memref<!tpu.dma_semaphore, #tpu.memory_space<semaphore_mem>>
      %dma_start3A = tpu.memref_slice %arg6[%mul3A_2] : memref<16384xf32, #tpu.memory_space<hbm>> -> memref<512xf32, #tpu.memory_space<hbm>>
      %dma_start3A_7 = tpu.memref_slice %arg6[%mul3A_2] : memref<16384xf32, #tpu.memory_space<hbm>> -> memref<512xf32, #tpu.memory_space<hbm>>
      tpu.enqueue_dma source(%arg11 : memref<512xf32, #tpu.memory_space<vmem>>) target(%dma_start3A_7 : memref<512xf32, #tpu.memory_space<hbm>>) target_semaphore(%run_scoped3A : memref<!tpu.dma_semaphore, #tpu.memory_space<semaphore_mem>>)
      %dma_wait3A = tpu.memref_slice %arg6[%mul3A_2] : memref<16384xf32, #tpu.memory_space<hbm>> -> memref<512xf32, #tpu.memory_space<hbm>>
      %dma_wait3A_8 = tpu.memref_slice %arg6[%mul3A_2] : memref<16384xf32, #tpu.memory_space<hbm>> -> memref<512xf32, #tpu.memory_space<hbm>>
      tpu.wait_dma2 semaphore(%run_scoped3A : memref<!tpu.dma_semaphore, #tpu.memory_space<semaphore_mem>>) src(%arg11 : memref<512xf32, #tpu.memory_space<vmem>>) dst(%dma_wait3A_8 : memref<512xf32, #tpu.memory_space<hbm>>)
      tpu.yield
    }) : () -> ()
    return
  }
}

module attributes {stable_mosaic.version = 14 : i64} {
  func.func @_tc_body(%arg0: i32, %arg1: memref<4096x128xf32, #tpu.memory_space<vmem>>, %arg2: memref<128x64xf32, #tpu.memory_space<vmem>>, %arg3: memref<64x32xf32, #tpu.memory_space<vmem>>, %arg4: memref<160x64xf32, #tpu.memory_space<vmem>>, %arg5: memref<4096xf32, #tpu.memory_space<vmem>>, %arg6: memref<4096xf32, #tpu.memory_space<vmem>>, %arg7: memref<4096xf32, #tpu.memory_space<vmem>>) attributes {dimension_semantics = [#tpu.dimension_semantics<arbitrary>], iteration_bounds = array<i64: 4>, scalar_prefetch = 0 : i64, scratch_operands = 0 : i64, tpu.core_type = #tpu.core_type<tc>, window_params = [{transform_indices = @transform_0, window_bounds = array<i64: 4096, 128>}, {pipeline_mode = #tpu.pipeline_mode<synchronous>, transform_indices = @transform_1, window_bounds = array<i64: 128, 64>}, {pipeline_mode = #tpu.pipeline_mode<synchronous>, transform_indices = @transform_2, window_bounds = array<i64: 64, 32>}, {pipeline_mode = #tpu.pipeline_mode<synchronous>, transform_indices = @transform_3, window_bounds = array<i64: 160, 64>}, {transform_indices = @transform_4, window_bounds = array<i64: 4096>}, {transform_indices = @transform_5, window_bounds = array<i64: 4096>}, {transform_indices = @transform_6, window_bounds = array<i64: 4096>}]} {
    %get3A = arith.constant 153 : index
    %get3A_0 = arith.constant 0 : index
    %get3A_1 = vector.load %arg4[%get3A, %get3A_0] : memref<160x64xf32, #tpu.memory_space<vmem>>, vector<1x64xf32>
    %get3A_2 = arith.constant 154 : index
    %get3A_3 = arith.constant 0 : index
    %get3A_4 = vector.load %arg4[%get3A_2, %get3A_3] : memref<160x64xf32, #tpu.memory_space<vmem>>, vector<1x32xf32>
    %get3A_5 = arith.constant 0 : index
    %get3A_6 = arith.constant 0 : index
    %get3A_7 = vector.load %arg1[%get3A_5, %get3A_6] : memref<4096x128xf32, #tpu.memory_space<vmem>>, vector<4096x128xf32>
    %get3A_8 = arith.constant 0 : index
    %get3A_9 = arith.constant 0 : index
    %get3A_10 = vector.load %arg2[%get3A_8, %get3A_9] : memref<128x64xf32, #tpu.memory_space<vmem>>, vector<128x64xf32>
    %dot_general3A = arith.constant dense<0.000000e+00> : vector<4096x64xf32>
    %dot_general3A_11 = tpu.matmul %get3A_7, %get3A_10, %dot_general3A {dimension_numbers = #tpu.dot_dimension_numbers<[1], [0], [0], [1], [0, 0, 1, 1], [], []>, transpose_lhs_hint = false} : vector<4096x128xf32>, vector<128x64xf32>, vector<4096x64xf32> -> vector<4096x64xf32>
    %add3A = vector.broadcast %get3A_1 : vector<1x64xf32> to vector<4096x64xf32>
    %add3A_12 = arith.addf %dot_general3A_11, %add3A : vector<4096x64xf32>
    %max3A = arith.constant 0.000000e+00 : f32
    %max3A_13 = vector.broadcast %max3A : f32 to vector<4096x64xf32>
    %max3A_14 = arith.maximumf %add3A_12, %max3A_13 : vector<4096x64xf32>
    %get3A_15 = arith.constant 0 : index
    %get3A_16 = arith.constant 0 : index
    %get3A_17 = vector.load %arg3[%get3A_15, %get3A_16] : memref<64x32xf32, #tpu.memory_space<vmem>>, vector<64x32xf32>
    %dot_general3A_18 = arith.constant dense<0.000000e+00> : vector<4096x32xf32>
    %dot_general3A_19 = tpu.matmul %max3A_14, %get3A_17, %dot_general3A_18 {dimension_numbers = #tpu.dot_dimension_numbers<[1], [0], [0], [1], [0, 0, 1, 1], [], []>, transpose_lhs_hint = false} : vector<4096x64xf32>, vector<64x32xf32>, vector<4096x32xf32> -> vector<4096x32xf32>
    %add3A_20 = vector.broadcast %get3A_4 : vector<1x32xf32> to vector<4096x32xf32>
    %add3A_21 = arith.addf %dot_general3A_19, %add3A_20 : vector<4096x32xf32>
    %max3A_22 = arith.constant 0.000000e+00 : f32
    %max3A_23 = vector.broadcast %max3A_22 : f32 to vector<4096x32xf32>
    %max3A_24 = arith.maximumf %add3A_21, %max3A_23 : vector<4096x32xf32>
    %get3A_25 = arith.constant 0 : index
    %get3A_26 = arith.constant 0 : index
    %get3A_27 = vector.load %arg4[%get3A_25, %get3A_26] : memref<160x64xf32, #tpu.memory_space<vmem>>, vector<32x64xf32>
    %get3A_28 = arith.constant 32 : index
    %get3A_29 = arith.constant 0 : index
    %get3A_30 = vector.load %arg4[%get3A_28, %get3A_29] : memref<160x64xf32, #tpu.memory_space<vmem>>, vector<16x64xf32>
    %get3A_31 = arith.constant 144 : index
    %get3A_32 = arith.constant 0 : index
    %get3A_33 = vector.load %arg4[%get3A_31, %get3A_32] : memref<160x64xf32, #tpu.memory_space<vmem>>, vector<1x16xf32>
    %get3A_34 = arith.constant 147 : index
    %get3A_35 = arith.constant 0 : index
    %get3A_36 = vector.load %arg4[%get3A_34, %get3A_35] : memref<160x64xf32, #tpu.memory_space<vmem>>, vector<1x64xf32>
    %get3A_37 = arith.constant 150 : index
    %get3A_38 = arith.constant 0 : index
    %get3A_39 = vector.load %arg4[%get3A_37, %get3A_38] : memref<160x64xf32, #tpu.memory_space<vmem>>, vector<1x64xf32>
    %get3A_40 = arith.constant 155 : index
    %get3A_41 = arith.constant 0 : index
    %get3A_42 = vector.load %arg4[%get3A_40, %get3A_41] : memref<160x64xf32, #tpu.memory_space<vmem>>, vector<1x1xf32>
    %dot_general3A_43 = arith.constant dense<0.000000e+00> : vector<1x64xf32>
    %dot_general3A_44 = tpu.matmul %get3A_33, %get3A_30, %dot_general3A_43 {dimension_numbers = #tpu.dot_dimension_numbers<[1], [0], [0], [1], [0, 0, 1, 1], [], []>, transpose_lhs_hint = false} : vector<1x16xf32>, vector<16x64xf32>, vector<1x64xf32> -> vector<1x64xf32>
    %add3A_45 = arith.addf %dot_general3A_44, %get3A_36 : vector<1x64xf32>
    %dot_general3A_46 = arith.constant dense<0.000000e+00> : vector<4096x64xf32>
    %dot_general3A_47 = tpu.matmul %max3A_24, %get3A_27, %dot_general3A_46 {dimension_numbers = #tpu.dot_dimension_numbers<[1], [0], [0], [1], [0, 0, 1, 1], [], []>, transpose_lhs_hint = false} : vector<4096x32xf32>, vector<32x64xf32>, vector<4096x64xf32> -> vector<4096x64xf32>
    %add3A_48 = vector.broadcast %add3A_45 : vector<1x64xf32> to vector<4096x64xf32>
    %add3A_49 = arith.addf %dot_general3A_47, %add3A_48 : vector<4096x64xf32>
    %max3A_50 = arith.constant 0.000000e+00 : f32
    %max3A_51 = vector.broadcast %max3A_50 : f32 to vector<4096x64xf32>
    %max3A_52 = arith.maximumf %add3A_49, %max3A_51 : vector<4096x64xf32>
    %dot_general3A_53 = arith.constant dense<0.000000e+00> : vector<1x4096xf32>
    %dot_general3A_54 = tpu.matmul %get3A_39, %max3A_52, %dot_general3A_53 {dimension_numbers = #tpu.dot_dimension_numbers<[1], [1], [0], [0], [0, 0, 1, 0], [], []>, transpose_lhs_hint = false} : vector<1x64xf32>, vector<4096x64xf32>, vector<1x4096xf32> -> vector<1x4096xf32>
    %add3A_55 = vector.broadcast %get3A_42 : vector<1x1xf32> to vector<1x4096xf32>
    %add3A_56 = arith.addf %dot_general3A_54, %add3A_55 : vector<1x4096xf32>
    %reshape3A = vector.shape_cast %add3A_56 : vector<1x4096xf32> to vector<4096xf32>
    %swap3A = arith.constant 0 : index
    %swap3A_57 = vector.load %arg5[%swap3A] : memref<4096xf32, #tpu.memory_space<vmem>>, vector<4096xf32>
    tpu.vector_store %arg5[%swap3A], %reshape3A {strides = array<i32>} : memref<4096xf32, #tpu.memory_space<vmem>>, vector<4096xf32>,
    %get3A_58 = arith.constant 48 : index
    %get3A_59 = arith.constant 0 : index
    %get3A_60 = vector.load %arg4[%get3A_58, %get3A_59] : memref<160x64xf32, #tpu.memory_space<vmem>>, vector<32x64xf32>
    %get3A_61 = arith.constant 80 : index
    %get3A_62 = arith.constant 0 : index
    %get3A_63 = vector.load %arg4[%get3A_61, %get3A_62] : memref<160x64xf32, #tpu.memory_space<vmem>>, vector<16x64xf32>
    %get3A_64 = arith.constant 145 : index
    %get3A_65 = arith.constant 0 : index
    %get3A_66 = vector.load %arg4[%get3A_64, %get3A_65] : memref<160x64xf32, #tpu.memory_space<vmem>>, vector<1x16xf32>
    %get3A_67 = arith.constant 148 : index
    %get3A_68 = arith.constant 0 : index
    %get3A_69 = vector.load %arg4[%get3A_67, %get3A_68] : memref<160x64xf32, #tpu.memory_space<vmem>>, vector<1x64xf32>
    %get3A_70 = arith.constant 151 : index
    %get3A_71 = arith.constant 0 : index
    %get3A_72 = vector.load %arg4[%get3A_70, %get3A_71] : memref<160x64xf32, #tpu.memory_space<vmem>>, vector<1x64xf32>
    %get3A_73 = arith.constant 155 : index
    %get3A_74 = arith.constant 1 : index
    %get3A_75 = vector.load %arg4[%get3A_73, %get3A_74] : memref<160x64xf32, #tpu.memory_space<vmem>>, vector<1x1xf32>
    %dot_general3A_76 = arith.constant dense<0.000000e+00> : vector<1x64xf32>
    %dot_general3A_77 = tpu.matmul %get3A_66, %get3A_63, %dot_general3A_76 {dimension_numbers = #tpu.dot_dimension_numbers<[1], [0], [0], [1], [0, 0, 1, 1], [], []>, transpose_lhs_hint = false} : vector<1x16xf32>, vector<16x64xf32>, vector<1x64xf32> -> vector<1x64xf32>
    %add3A_78 = arith.addf %dot_general3A_77, %get3A_69 : vector<1x64xf32>
    %dot_general3A_79 = arith.constant dense<0.000000e+00> : vector<4096x64xf32>
    %dot_general3A_80 = tpu.matmul %max3A_24, %get3A_60, %dot_general3A_79 {dimension_numbers = #tpu.dot_dimension_numbers<[1], [0], [0], [1], [0, 0, 1, 1], [], []>, transpose_lhs_hint = false} : vector<4096x32xf32>, vector<32x64xf32>, vector<4096x64xf32> -> vector<4096x64xf32>
    %add3A_81 = vector.broadcast %add3A_78 : vector<1x64xf32> to vector<4096x64xf32>
    %add3A_82 = arith.addf %dot_general3A_80, %add3A_81 : vector<4096x64xf32>
    %max3A_83 = arith.constant 0.000000e+00 : f32
    %max3A_84 = vector.broadcast %max3A_83 : f32 to vector<4096x64xf32>
    %max3A_85 = arith.maximumf %add3A_82, %max3A_84 : vector<4096x64xf32>
    %dot_general3A_86 = arith.constant dense<0.000000e+00> : vector<1x4096xf32>
    %dot_general3A_87 = tpu.matmul %get3A_72, %max3A_85, %dot_general3A_86 {dimension_numbers = #tpu.dot_dimension_numbers<[1], [1], [0], [0], [0, 0, 1, 0], [], []>, transpose_lhs_hint = false} : vector<1x64xf32>, vector<4096x64xf32>, vector<1x4096xf32> -> vector<1x4096xf32>
    %add3A_88 = vector.broadcast %get3A_75 : vector<1x1xf32> to vector<1x4096xf32>
    %add3A_89 = arith.addf %dot_general3A_87, %add3A_88 : vector<1x4096xf32>
    %reshape3A_90 = vector.shape_cast %add3A_89 : vector<1x4096xf32> to vector<4096xf32>
    %swap3A_91 = arith.constant 0 : index
    %swap3A_92 = vector.load %arg6[%swap3A_91] : memref<4096xf32, #tpu.memory_space<vmem>>, vector<4096xf32>
    tpu.vector_store %arg6[%swap3A_91], %reshape3A_90 {strides = array<i32>} : memref<4096xf32, #tpu.memory_space<vmem>>, vector<4096xf32>,
    %get3A_93 = arith.constant 96 : index
    %get3A_94 = arith.constant 0 : index
    %get3A_95 = vector.load %arg4[%get3A_93, %get3A_94] : memref<160x64xf32, #tpu.memory_space<vmem>>, vector<32x64xf32>
    %get3A_96 = arith.constant 128 : index
    %get3A_97 = arith.constant 0 : index
    %get3A_98 = vector.load %arg4[%get3A_96, %get3A_97] : memref<160x64xf32, #tpu.memory_space<vmem>>, vector<16x64xf32>
    %get3A_99 = arith.constant 146 : index
    %get3A_100 = arith.constant 0 : index
    %get3A_101 = vector.load %arg4[%get3A_99, %get3A_100] : memref<160x64xf32, #tpu.memory_space<vmem>>, vector<1x16xf32>
    %get3A_102 = arith.constant 149 : index
    %get3A_103 = arith.constant 0 : index
    %get3A_104 = vector.load %arg4[%get3A_102, %get3A_103] : memref<160x64xf32, #tpu.memory_space<vmem>>, vector<1x64xf32>
    %get3A_105 = arith.constant 152 : index
    %get3A_106 = arith.constant 0 : index
    %get3A_107 = vector.load %arg4[%get3A_105, %get3A_106] : memref<160x64xf32, #tpu.memory_space<vmem>>, vector<1x64xf32>
    %get3A_108 = arith.constant 155 : index
    %get3A_109 = arith.constant 2 : index
    %get3A_110 = vector.load %arg4[%get3A_108, %get3A_109] : memref<160x64xf32, #tpu.memory_space<vmem>>, vector<1x1xf32>
    %dot_general3A_111 = arith.constant dense<0.000000e+00> : vector<1x64xf32>
    %dot_general3A_112 = tpu.matmul %get3A_101, %get3A_98, %dot_general3A_111 {dimension_numbers = #tpu.dot_dimension_numbers<[1], [0], [0], [1], [0, 0, 1, 1], [], []>, transpose_lhs_hint = false} : vector<1x16xf32>, vector<16x64xf32>, vector<1x64xf32> -> vector<1x64xf32>
    %add3A_113 = arith.addf %dot_general3A_112, %get3A_104 : vector<1x64xf32>
    %dot_general3A_114 = arith.constant dense<0.000000e+00> : vector<4096x64xf32>
    %dot_general3A_115 = tpu.matmul %max3A_24, %get3A_95, %dot_general3A_114 {dimension_numbers = #tpu.dot_dimension_numbers<[1], [0], [0], [1], [0, 0, 1, 1], [], []>, transpose_lhs_hint = false} : vector<4096x32xf32>, vector<32x64xf32>, vector<4096x64xf32> -> vector<4096x64xf32>
    %add3A_116 = vector.broadcast %add3A_113 : vector<1x64xf32> to vector<4096x64xf32>
    %add3A_117 = arith.addf %dot_general3A_115, %add3A_116 : vector<4096x64xf32>
    %max3A_118 = arith.constant 0.000000e+00 : f32
    %max3A_119 = vector.broadcast %max3A_118 : f32 to vector<4096x64xf32>
    %max3A_120 = arith.maximumf %add3A_117, %max3A_119 : vector<4096x64xf32>
    %dot_general3A_121 = arith.constant dense<0.000000e+00> : vector<1x4096xf32>
    %dot_general3A_122 = tpu.matmul %get3A_107, %max3A_120, %dot_general3A_121 {dimension_numbers = #tpu.dot_dimension_numbers<[1], [1], [0], [0], [0, 0, 1, 0], [], []>, transpose_lhs_hint = false} : vector<1x64xf32>, vector<4096x64xf32>, vector<1x4096xf32> -> vector<1x4096xf32>
    %add3A_123 = vector.broadcast %get3A_110 : vector<1x1xf32> to vector<1x4096xf32>
    %add3A_124 = arith.addf %dot_general3A_122, %add3A_123 : vector<1x4096xf32>
    %reshape3A_125 = vector.shape_cast %add3A_124 : vector<1x4096xf32> to vector<4096xf32>
    %swap3A_126 = arith.constant 0 : index
    %swap3A_127 = vector.load %arg7[%swap3A_126] : memref<4096xf32, #tpu.memory_space<vmem>>, vector<4096xf32>
    tpu.vector_store %arg7[%swap3A_126], %reshape3A_125 {strides = array<i32>} : memref<4096xf32, #tpu.memory_space<vmem>>, vector<4096xf32>,
    return
  }
  func.func @transform_0(%arg0: i32) -> (i32, i32) {
    %c0_i32 = arith.constant 0 : i32
    %c0_i32_0 = arith.constant 0 : i32
    return %arg0, %c0_i32 : i32, i32
  }
  func.func @transform_1(%arg0: i32) -> (i32, i32) {
    %c0_i32 = arith.constant 0 : i32
    %c0_i32_0 = arith.constant 0 : i32
    %c0_i32_1 = arith.constant 0 : i32
    return %c0_i32, %c0_i32_0 : i32, i32
  }
  func.func @transform_2(%arg0: i32) -> (i32, i32) {
    %c0_i32 = arith.constant 0 : i32
    %c0_i32_0 = arith.constant 0 : i32
    %c0_i32_1 = arith.constant 0 : i32
    return %c0_i32, %c0_i32_0 : i32, i32
  }
  func.func @transform_3(%arg0: i32) -> (i32, i32) {
    %c0_i32 = arith.constant 0 : i32
    %c0_i32_0 = arith.constant 0 : i32
    %c0_i32_1 = arith.constant 0 : i32
    return %c0_i32, %c0_i32_0 : i32, i32
  }
  func.func @transform_4(%arg0: i32) -> i32 {
    %c0_i32 = arith.constant 0 : i32
    return %arg0 : i32
  }
  func.func @transform_5(%arg0: i32) -> i32 {
    %c0_i32 = arith.constant 0 : i32
    return %arg0 : i32
  }
  func.func @transform_6(%arg0: i32) -> i32 {
    %c0_i32 = arith.constant 0 : i32
    return %arg0 : i32
  }
}

</mosaic_0001>

<sc_bundles>
// kernel: kernel.4.cloned.1.call-start
scs
__scs_entry_jumppad:
0x0: {  	(pc) =	sbr.rel $0x88, $3  }
0x1: {  	(tag) =	ssettag $0x0;
	lr =	simm.s32 $0x1  }
0x2: {  	[smem:$0x3F96] =	sst lr;
	_ =	strace $0xD0000000  }
0x3: {  	_ = 	snop  }
0x4: {  	_ = 	snop  }
0x5: {  	_ = 	snop  }
0x6: {  	_ = 	snop  }
0x7: {  	_ = 	snop  }
__scs_overlays_trampoline_lowered:
0x8: {  	[smem:$0x3FA5] =	sst s0  }
0x9: {  	[smem:$0x3FA6] =	sst s1  }
0xa: {  	[smem:$0x3FA7] =	sst s2  }
0xb: {  	[smem:$0x3FA8] =	sst s3  }
0xc: {  	[smem:$0x3FA9] =	sst s4  }
0xd: {  	[smem:$0x3FAA] =	sst s5  }
0xe: {  	[smem:$0x3FAB] =	sst s6  }
0xf: {  	[smem:$0x3FAC] =	sst s7  }
0x10: {  	[smem:$0x3FAD] =	sst s8  }
0x11: {  	[smem:$0x3FAE] =	sst s9;
	s0 =	simm.s32 @!p0 $0x0  }
0x12: {  	s1 =	sld [smem:$0x3F94];
	s0 =	simm.s32 @p0 $0x1  }
0x13: {  	[smem:$0x3FAF] =	sst s0;
	s0 =	simm.s32 @!p1 $0x0  }
0x14: {  	s2 =	sld [smem:$0x3F93];
	s0 =	simm.s32 @p1 $0x1  }
0x15: {  	[smem:$0x3FB0] =	sst s0;
	s0 =	simm.s32 @!p2 $0x0  }
0x16: {  	s3 =	sld [smem:$0x3FDB];
	s0 =	simm.s32 @p2 $0x1  }
0x17: {  	s4 =	simm.s32 $0x1BF5;
	[smem:$0x3FB2] =	sst s0  }
0x18: {  	s0 =	sld [smem:$0x3F95];
	_ =	swait.ge [sflag:s4], $0x0  }
0x19: {  	s7 =	sld [smem:$0x3F96]  }
0x1a: {  	s8 =	sadd.s32 $0xFFFFE003, lr  }
0x1b: {  	s9 =	sadd.s32 $0xFFFFFEF7, lr;
	s5 =	simm.s32 $0xFFFFFFFF;
	p2 =	slt.u32 s8, $0xFFFFF086  }
0x1c: {  	p1 =	slt.u32 s9, $0xF7A;
	s5 =	simm.s32 @!p2 $0x0  }
0x1d: {  	s5 =	simm.s32 @p1 $0x1;
	p0 =	seq.s32 s7, s2  }
0x1e: {  	s7 =	smul.u32 @!p0 $0xF7A, s2;
	p2 =	seq.s32 @!p0 s5, $0x0  }
0x1f: {  	s9 =	smul.u32 $0xF7A, s1;
	s8 =	simm.s32 @!p0 $0x1BF5;
	p2 =	por !p2, p0  }
0x20: {  	[sflag:s8] =	ssyncset.s32 @!p0 $0xFFFFF086;
	s6 =	sadd.s32 @!p0 s3, s7;
	s7 =	simm.s32 @!p0 $0x108  }
0x21: {  	s3 =	sadd.s32 s3, s9;
	s6 =	sadd.s32 @!p0 $0x88, s6;
	s7 =	simm.s32 @p2 $0x1082  }
0x22: {  	[simem:s7], [sflag:s8] =	dma.local @!p0 [hbm:s6], $0xF7A  }
0x23: {  	s9 =	sor.u32 $0xD0000000, s2;
	s6 =	simm.s32 $0x108;
	_ =	swait.ge @!p0 [sflag:s8], $0x0  }
0x24: {  	s3 =	sadd.s32 $0x88, s3;
	s6 =	simm.s32 @!p1 $0x1082;
	[sflag:s4] =	ssyncset.s32 $0xFFFFF086  }
0x25: {  	[simem:s6], [sflag:s4] =	dma.local [hbm:s3], $0xF7A  }
0x26: {  	[smem:$0x3F96] =	sst s1;
	(tag) =	ssettag s2;
	_ =	strace s9  }
0x27: {  	s1 =	sld [smem:$0x3FA6]  }
0x28: {  	s2 =	sld [smem:$0x3FA7]  }
0x29: {  	s4 =	sld [smem:$0x3FA9]  }
0x2a: {  	p0 =	seq.s32 s5, $0x0;
	s5 =	sld [smem:$0x3FAA]  }
0x2b: {  	s6 =	sld [smem:$0x3FAB]  }
0x2c: {  	s7 =	sld [smem:$0x3FAC]  }
0x2d: {  	s3 =	simm.s32 $0x108;
	s8 =	sld [smem:$0x3FAD]  }
0x2e: {  	s3 =	simm.s32 @!p0 $0x1082;
	s9 =	sld [smem:$0x3FAE]  }
0x2f: {  	lr =	sadd.s32 s0, s3;
	s0 =	sld [smem:$0x3FA5]  }
0x30: {  	s3 =	sld [smem:$0x3FA8]  }
0x31: {  	[smem:$0x3FB1] =	sst s10  }
0x32: {  	s10 =	sld [smem:$0x3FAF];
	_ =	sdelay $0x3  }
0x33: {  	p0 =	seq.s32 s10, $0x1;
	s10 =	sld [smem:$0x3FB1];
	_ =	sdelay $0x3  }
0x34: {  	[smem:$0x3FB1] =	sst s10  }
0x35: {  	s10 =	sld [smem:$0x3FB0];
	_ =	sdelay $0x3  }
0x36: {  	p1 =	seq.s32 s10, $0x1;
	s10 =	sld [smem:$0x3FB1];
	_ =	sdelay $0x3  }
0x37: {  	[smem:$0x3FB1] =	sst s10  }
0x38: {  	s10 =	sld [smem:$0x3FB2]  }
0x39: {  	_ = 	snop;
	(pc) =	sbr.ind lr, $3  }
0x3a: {  	_ = 	snop  }
0x3b: {  	_ = 	snop  }
0x3c: {  	p2 =	seq.s32 s10, $0x1;
	s10 =	sld [smem:$0x3FB1]  }
0x3d: {  	_ =	shalt  }
0x3e: {  	_ =	shalt  }
0x3f: {  	_ =	shalt  }
0x40: {  	_ =	shalt  }
0x41: {  	_ =	shalt  }
0x42: {  	_ =	shalt  }
0x43: {  	_ =	shalt  }
0x44: {  	_ =	shalt  }
0x45: {  	_ =	shalt  }
0x46: {  	_ =	shalt  }
0x47: {  	_ =	shalt  }
0x48: {  	_ =	shalt  }
0x49: {  	_ =	shalt  }
0x4a: {  	_ =	shalt  }
0x4b: {  	_ =	shalt  }
0x4c: {  	_ =	shalt  }
0x4d: {  	_ =	shalt  }
0x4e: {  	_ =	shalt  }
0x4f: {  	_ =	shalt  }
0x50: {  	_ =	shalt  }
0x51: {  	_ =	shalt  }
0x52: {  	_ =	shalt  }
0x53: {  	_ =	shalt  }
0x54: {  	_ =	shalt  }
0x55: {  	_ =	shalt  }
0x56: {  	_ =	shalt  }
0x57: {  	_ =	shalt  }
0x58: {  	_ =	shalt  }
0x59: {  	_ =	shalt  }
0x5a: {  	_ =	shalt  }
0x5b: {  	_ =	shalt  }
0x5c: {  	_ =	shalt  }
0x5d: {  	_ =	shalt  }
0x5e: {  	_ =	shalt  }
0x5f: {  	_ =	shalt  }
0x60: {  	_ =	shalt  }
0x61: {  	_ =	shalt  }
0x62: {  	_ =	shalt  }
0x63: {  	_ =	shalt  }
0x64: {  	_ =	shalt  }
0x65: {  	_ =	shalt  }
0x66: {  	_ =	shalt  }
0x67: {  	_ =	shalt  }
0x68: {  	_ =	shalt  }
0x69: {  	_ =	shalt  }
0x6a: {  	_ =	shalt  }
0x6b: {  	_ =	shalt  }
0x6c: {  	_ =	shalt  }
0x6d: {  	_ =	shalt  }
0x6e: {  	_ =	shalt  }
0x6f: {  	_ =	shalt  }
0x70: {  	_ =	shalt  }
0x71: {  	_ =	shalt  }
0x72: {  	_ =	shalt  }
0x73: {  	_ =	shalt  }
0x74: {  	_ =	shalt  }
0x75: {  	_ =	shalt  }
0x76: {  	_ =	shalt  }
0x77: {  	_ =	shalt  }
0x78: {  	_ =	shalt  }
0x79: {  	_ =	shalt  }
0x7a: {  	_ =	shalt  }
0x7b: {  	_ =	shalt  }
0x7c: {  	_ =	shalt  }
0x7d: {  	_ =	shalt  }
0x7e: {  	_ =	shalt  }
0x7f: {  	_ =	shalt  }
0x80: {  	_ =	shalt  }
0x81: {  	_ =	shalt  }
0x82: {  	_ =	shalt  }
0x83: {  	_ =	shalt  }
0x84: {  	_ =	shalt  }
0x85: {  	_ =	shalt  }
0x86: {  	_ =	shalt  }
0x87: {  	_ =	shalt  }
.Lfunc_end0:
.L_simem_size_0:
called_computation_lowered:
.L_overlay_start_0:
0x88: {  	s2 =	sld [smem:$0x3FD9]  }
0x89: {  	s3 =	sld [smem:$0x3FFE];
	_ =	sdelay $0x1  }
0x8a: {  	s1 =	srdreg.scid  }
0x8b: {  	s0 =	sand.u32 $0x1, s1  }
0x8c: {  	s17 =	sshll.u32 s0, $0xA;
	s2 =	sadd.s32 s3, s2  }
0x8d: {  	s2 =	sadd.s32 s2, s17  }
0x8e: {  	[smem:$0x3FBD] =	sst s2  }
0x8f: {  	_ = 	snop  }
0x90: {  	s2 =	sld [smem:$0x3FC8]  }
0x91: {  	s18 =	sld [smem:$0x3FD0];
	(tm) =	ssettm $0x1  }
0x92: {  	s4 =	sld [smem:$0x3FFB];
	_ =	sdelay $0x3  }
0x93: {  	_ =	strace s4  }
0x94: {  	s4 =	sld [smem:$0x3FFC];
	_ =	sdelay $0x3  }
0x95: {  	_ =	strace s4  }
0x96: {  	s4 =	sld [smem:$0x3FFD];
	_ =	sdelay $0x3  }
0x97: {  	_ =	strace s4  }
0x98: {  	_ =	strace $0x8FFFFFFF  }
0x99: {  	s19 =	sld [smem:$0x3FDB];
	_ =	sdelay $0x1  }
0x9a: {  	s5 =	simm.s32 $_scs_section_size  }
0x9b: {  	s6 =	simm.s32 $_size__tile_overlayer_lowered;
	s7 =	simm.s32 $_tile_overlayer_lowered  }
0x9c: {  	s22 =	simm.s32 $0x1BFF;
	s21 =	sshll.u32 s7, $0x1;
	s4 =	sadd.s32 s5, s19  }
0x9d: {  	s8 =	simm.s32 $0x0;
	s20 =	sshll.u32 s6, $0x1;
	s6 =	sadd.s32 s21, s4  }
0x9e: {  	[timem:s8], [sflag:s22] =	dma.local [hbm:s6], s20  }
0x9f: {  	_ =	swait.ge [sflag:s22], s20  }
0xa0: {  	s5 =	ssub.s32 $0x0, s20;
	[sflag:s22] =	ssyncset.done $0x0  }
0xa1: {  	[sflag:s22] =	ssyncadd.s32 s5;
	_ =	sdelay $0x1  }
0xa2: {  	s23 =	simm.s32 $0x1B8B  }
0xa3: {  	_ =	swait.ge [sflag:s23], $0x1  }
0xa4: {  	[sflag:s23] =	ssyncset.done $0x0  }
0xa5: {  	s25 =	simm.s32 $0x1B8E;
	s24 =	sld [smem:$0x3FFE];
	[sflag:s23] =	ssyncadd.s32 $0xFFFFFFFF  }
0xa6: {  	s26 =	simm.s32 $execute0_lowered;
	[smem:$0x3FD2] =	sst s25  }
0xa7: {  	s6 =	sshll.u32 s26, $0x1;
	_ =	strace $0x80000046;
	[dreg:$0x1] =	wrdreg $0xFFFFFFFF  }
0xa8: {  	s28 =	simm.s32 $_size_execute0_lowered;
	s4 =	sadd.s32 s4, s6;
	[dreg:$0x0] =	wrdreg $0x0  }
0xa9: {  	s6 =	sshll.u32 s28, $0x1;
	[dreg:$0x2] =	wrdreg s4  }
0xaa: {  	[dreg:$0x3] =	wrdreg s6  }
0xab: {  	[dreg:$0x4] =	wrdreg $0xC0  }
0xac: {  	_ =	task [dreg:s8], $0x5FFFF  }
0xad: {  	[dreg:$0x1] =	wrdreg $0xFFFFFFFF  }
0xae: {  	[dreg:$0x0] =	wrdreg $0x60  }
0xaf: {  	[dreg:$0x2] =	wrdreg s24  }
0xb0: {  	[dreg:$0x3] =	wrdreg s2  }
0xb1: {  	[dreg:$0x4] =	wrdreg s18  }
0xb2: {  	[dreg:$0x5] =	wrdreg $0x9  }
0xb3: {  	_ =	task.clear_ibuf [dreg:s8], $0x6FFFF;
	_ =	strace $0x90000046  }
0xb4: {  	s29 =	simm.s32 $0x9;
	_ =	strace $0x80000048  }
0xb5: {  	_ =	swait.ge [sflag:s29], $0x1  }
0xb6: {  	[sflag:s29] =	ssyncadd.s32 $0xFFFFFFFF  }
0xb7: {  	_ =	strace $0x90000048  }
0xb8: {  	_ =	sfence  }
0xb9: {  	s30 =	sld [smem:$0x0];
	_ =	sdelay $0x2  }
0xba: {  	s31 =	sshll.u32 s1, $0xD;
	s1 =	sshrl.u32 s1, $0x2  }
0xbb: {  	s3 =	sand.u32 $0x4000, s31;
	s1 =	sadd.s32 s1, s30  }
0xbc: {  	s0 =	sor.u32 s3, s0;
	s1 =	sshll.u32 s1, $0x11  }
0xbd: {  	s0 =	sor.u32 s1, s0  }
0xbe: {  	s0 =	sadd.s32 $0x8F2B, s0  }
0xbf: {  	[sflag:s0] =	ssyncadd.remote.s32 $0x1  }
0xc0: {  	_ =	sfence.sel $0xFFFF  }
0xc1: {  	[dreg:$0x0] =	wrdreg $0xFFFFFFFF;
	(pc) =	sbr.abs _section_cstart, $3  }
0xc2: {  	[dreg:$0x1] =	wrdreg $0xFFFFFFFF  }
0xc3: {  	_ =	task.clear_ibuf [dreg:s8], $0x2FFFF;
	_ =	strace $0x9FFFFFFF  }
0xc4: {  	(tm) =	ssettm $0x7FFFFFFF  }
0xc5: {  	_ =	shalt  }
tec
execute0_lowered:
.L_overlay_start_1:
0x0: {  	(tag) =	ssettag $0x1  }
0x1: {  	s3 =	rddreg [dreg:$0x0]  }
0x2: {  	s6 =	rddreg [dreg:$0x1]  }
0x3: {  	s7 =	rddreg [dreg:$0x2]  }
0x4: {  	s0 =	rddreg [dreg:$0x3];
	s4 =	srdreg.scid  }
0x5: {  	s2 =	simm.s32 $0x0;
	s1 =	stileid.u32;
	s11 =	simm.s32 $0x400  }
0x6: {  	s12 =	simm.s32 $0x600;
	s13 =	simm.s32 $0x800;
	s4 =	sand.u32 $0x1, s4  }
0x7: {  	s14 =	simm.s32 $0x0;
	s5 =	sshll.u32 s1, $0x7;
	s8 =	sshll.u32 s4, $0x6  }
0x8: {  	[smem:$0x7FF] =	sst s2;
	s4 =	ssub.s32 $0x2, s4;
	s8 =	sor.u32 s8, s5  }
0x9: {  	_ =	strace $0x80000047;
	s31 =	sshrl.u32 s4, $0x1;
	s9 =	sadd.s32 s8, s3  }
0xa: {  	s10 =	ssub.s32 s4, s31;
	s6 =	sadd.s32 s6, s8;
	s7 =	sadd.s32 s7, s8  }
0xb: {  	s3 =	sadd.s32 $0xE00, s9;
	s4 =	sadd.s32 $0x1600, s9;
	s5 =	sadd.s32 $0x1E00, s9  }
0xc: {  	s8 =	smax.u32 s10, $0x1;
	s9 =	simm.s32 $0x1;
	s10 =	simm.s32 $0x200  }
.LBB2_1:
0xd: {  	[tilespmem:s2], [sflag:$0x1] =	stream.linear.gather [hbm4b:s3+s2], $0x200, $0x38;
	[tilespmem:$0xA00] =	vst v63  }
0xe: {  	_ =	swait.ge [sflag:s9], $0x200  }
0xf: {  	[sflag:s9] =	ssyncset.done $0x0  }
0x10: {  	[sflag:s9] =	ssyncadd.s32 $0xFFFFFE00  }
0x11: {  	[tilespmem:s10], [sflag:$0x1] =	stream.linear.gather [hbm4b:s4+s2], $0x200, $0x38;
	[tilespmem:$0xA00] =	vst v63  }
0x12: {  	_ =	swait.ge [sflag:s9], $0x200  }
0x13: {  	[sflag:s9] =	ssyncset.done $0x0  }
0x14: {  	[sflag:s9] =	ssyncadd.s32 $0xFFFFFE00  }
0x15: {  	[tilespmem:s11], [sflag:$0x1] =	stream.linear.gather [hbm4b:s5+s2], $0x200, $0x38;
	[tilespmem:$0xA00] =	vst v63  }
0x16: {  	_ =	swait.ge [sflag:s9], $0x200  }
0x17: {  	[sflag:s9] =	ssyncset.done $0x0  }
0x18: {  	[sflag:s9] =	ssyncadd.s32 $0xFFFFFE00  }
0x19: {  	[tilespmem:s12], [sflag:$0x1] =	stream.linear.gather [hbm4b:s6+s2], $0x200, $0x38;
	[tilespmem:$0xA00] =	vst v63  }
0x1a: {  	_ =	swait.ge [sflag:s9], $0x200  }
0x1b: {  	[sflag:s9] =	ssyncset.done $0x0  }
0x1c: {  	s15 =	simm.s32 $0x0;
	[sflag:s9] =	ssyncadd.s32 $0xFFFFFE00  }
0x1d: {  	v0 =	vld [tilespmem:s15+$0x200]  }
0x1e: {  	v1 =	vld [tilespmem:s15+$0x600]  }
0x1f: {  	v2 =	vld [tilespmem:s15+$0x400]  }
0x20: {  	s16 =	simm.s32 $0x40;
	v3 =	vld [tilespmem:s15+$0x0]  }
.LBB2_2:
0x21: {  	p0 =	sne.s32 s16, $0x7C0  }
.Ltmp0:
0x22: {  	s17 =	sshra.s32 s16, $0x2;
	v4 =	vmov v0;
	(pc) =	sbr.rel @p0 .LBB2_2-.Ltmp0, $4  }
0x23: {  	s16 =	sadd.s32 $0x40, s16;
	v0 =	vld [tilespmem:s17+$0x200];
	vm0 =	veq.s32 v1, $0x1  }
0x24: {  	vm1 =	veq.s32 v1, $0x0;
	v1 =	vld [tilespmem:s17+$0x600];
	v4 =	vsel vm0, v4, v2  }
0x25: {  	v2 =	vld [tilespmem:s17+$0x400];
	v4 =	vsel vm1, v3, v4  }
0x26: {  	v3 =	vld [tilespmem:s17+$0x0];
	[tilespmem:s15+$0x800] =	vst v4;
	s15 =	smov.u32 s17  }
0x27: {  	_ =	sdelay $0x1  }
0x28: {  	vm0 =	veq.s32 v1, $0x1  }
0x29: {  	s14 =	sadd.s32 $0x1, s14;
	vm1 =	veq.s32 v1, $0x0;
	v0 =	vsel vm0, v0, v2  }
0x2a: {  	p0 =	sne.s32 s14, s8;
	v0 =	vsel vm1, v3, v0  }
.Ltmp1:
0x2b: {  	[tilespmem:s15+$0x800] =	vst v0;
	(pc) =	sbr.rel @p0 .LBB2_1-.Ltmp1, $4  }
0x2c: {  	[hbm4b:s7+s2] =	stream.linear.scatter [tilespmem:s13], [sflag:$0x1], $0x200, $0x38;
	[tilespmem:$0xA00] =	vst v63  }
0x2d: {  	_ =	swait.ge [sflag:s9], $0x200  }
0x2e: {  	[sflag:s9] =	ssyncset.done $0x0  }
0x2f: {  	[sflag:s9] =	ssyncadd.s32 $0xFFFFFE00  }
0x30: {  	_ =	sfence.sel $0x180000  }
0x31: {  	[bflag:$0x0] =	sbarrier.arrive $0xFFFF  }
0x32: {  	p0 =	sne.s32 s1, $0x0;
	_ =	strace $0x90000047  }
0x33: {  	s0 =	sadd.s32 @!p0 $0x100000, s0;
	[bflag:$0x2] =	sbarrier.arrive $0xFFFF  }
0x34: {  	[sflag:s0] =	ssyncadd.tile.s32 @!p0 $0x1;
	_ =	shalt  }
.Lfunc_end2:
_tile_overlayer_lowered:
.L_overlay_start_2:
0x35: {  	(tag) =	ssettag $0x2  }
0x36: {  	s0 =	rddreg [dreg:$0x0];
	s2 =	stileid.u32  }
0x37: {  	s1 =	rddreg [dreg:$0x1];
	p0 =	sne.s32 s2, $0x0  }
0x38: {  	s3 =	rddreg [dreg:$0x2];
	[bflag:$0x3] =	sbarrier.arrive $0xFFFF;
	s2 =	simm.s32 @!p0 $0x1C01  }
0x39: {  	[timem:s3], [sflag:s2] =	dma.local @!p0 [hbm:s0], s1  }
0x3a: {  	s0 =	simm.s32 @!p0 $0x1  }
0x3b: {  	_ =	swait.ge @!p0 [sflag:s0], s1  }
0x3c: {  	s1 =	ssub.s32 @!p0 $0x0, s1;
	[sflag:s0] =	ssyncset.done @!p0 $0x0  }
0x3d: {  	[sflag:s0] =	ssyncadd.s32 @!p0 s1  }
0x3e: {  	[bflag:$0x3] =	sbarrier.arrive $0xFFFF  }
0x3f: {  	_ =	shalt  }

</sc_bundles>
